<compile_context>
chip_gen: v7x
topology: tpu7x:2x2x1
jax: 0.10.2.dev20260603
libtpu: 0.0.44.dev20260713+nightly
codegen_flags: <defaults>
</compile_context>

<pallas_src>
import functools

import jax
import jax.numpy as jnp
from jax import lax
from jax.experimental import pallas as pl
from jax.experimental.pallas import tpu as pltpu
from jax.experimental.pallas import tpu_sc as plsc

VOCAB = 100000
D = 128
BATCH = 4096
HIST = 50

NC = 2
NS = 16
NW = NC * NS
ROWS = BATCH * HIST
R_PER_W = ROWS // NW
CHUNK = 128
NCHUNK = R_PER_W // CHUNK
NSLOT = 7
NFULL = (NCHUNK - NSLOT) // NSLOT
NREM = NCHUNK - NSLOT * (NFULL + 1)

TC_BLOCK = 10000


def _tc_norm_body(w_ref, o_ref):
    w = w_ref[...]
    ss = jnp.sum(w * w, axis=1, keepdims=True)
    scale = jnp.float32(1.0) / jnp.maximum(jnp.sqrt(ss), jnp.float32(1e-12))
    o_ref[...] = w * scale


def _normalize_table(weight):
    return pl.pallas_call(
        _tc_norm_body,
        out_shape=jax.ShapeDtypeStruct((VOCAB, D), jnp.float32),
        grid=(VOCAB // TC_BLOCK,),
        in_specs=[pl.BlockSpec((TC_BLOCK, D), lambda i: (i, 0))],
        out_specs=pl.BlockSpec((TC_BLOCK, D), lambda i: (i, 0)),
        compiler_params=pltpu.CompilerParams(
            dimension_semantics=("parallel",)
        ),
    )(weight)


def _sc_body(x_hbm, w_hbm, out_hbm, idx_v, *bufs_and_sems):
    bufs = bufs_and_sems[:NSLOT]
    gsem = bufs_and_sems[NSLOT:2 * NSLOT]
    ssem = bufs_and_sems[2 * NSLOT:3 * NSLOT]

    c = lax.axis_index("c")
    s = lax.axis_index("s")
    wid = s * NC + c

    pltpu.sync_copy(x_hbm.at[wid], idx_v)

    def gather(j, buf, sem):
        return pltpu.async_copy(w_hbm.at[idx_v.at[j]], buf, sem)

    def wait_gather(j, buf, sem):
        pltpu.make_async_copy(w_hbm.at[idx_v.at[j]], buf, sem).wait()

    def store(j, buf, sem):
        base = (wid * NCHUNK + j) * CHUNK
        return pltpu.async_copy(buf, out_hbm.at[pl.ds(base, CHUNK)], sem)

    def wait_store(j, buf, sem):
        base = (wid * NCHUNK + j) * CHUNK
        pltpu.make_async_copy(buf, out_hbm.at[pl.ds(base, CHUNK)], sem).wait()

    for k in range(NSLOT):
        store(k, bufs[k], ssem[k])

    def body(i, carry):
        j0 = NSLOT * i
        for k in range(NSLOT):
            wait_store(j0 + k, bufs[k], ssem[k])
            store(j0 + NSLOT + k, bufs[k], ssem[k])
        return carry

    lax.fori_loop(0, NFULL, body, 0, unroll=False)

    j0 = NSLOT * NFULL
    for k in range(NSLOT):
        wait_store(j0 + k, bufs[k], ssem[k])
    for k in range(NREM):
        store(j0 + NSLOT + k, bufs[k], ssem[k])
        wait_store(j0 + NSLOT + k, bufs[k], ssem[k])


@jax.jit
def kernel(x, weight):
    wn = weight
    xi = x.astype(jnp.int32).T.reshape(NW, NCHUNK, CHUNK)
    mesh = plsc.VectorSubcoreMesh(core_axis_name="c", subcore_axis_name="s")
    out = pl.kernel(
        _sc_body,
        out_type=jax.ShapeDtypeStruct((ROWS, D), jnp.float32),
        mesh=mesh,
        compiler_params=pltpu.CompilerParams(needs_layout_passes=False),
        scratch_types=(
            [pltpu.VMEM((NCHUNK, CHUNK), jnp.int32)]
            + [pltpu.VMEM((CHUNK, D), jnp.float32) for _ in range(NSLOT)]
            + [pltpu.SemaphoreType.DMA for _ in range(2 * NSLOT)]
        ),
    )(xi, wn)
    return out.reshape(HIST, BATCH, D).swapaxes(0, 1)

# --- scband reference (transcript-rebuilt; emitter-appended) ---
"""Pipeline reference for scband-embedding-88630945120900 (READ-ONLY COPY).

The authoritative reference and input builder live on the scoring server;
editing this copy changes nothing except your own understanding.
"""

import jax, jax.numpy as jnp
import numpy as np

VOCAB = 100000
D_MODEL = 128
BATCH = 4096
HIST = 50


def setup_inputs(seed: int = 0) -> dict:
    key = jax.random.key(seed)
    k_idx, k_w = jax.random.split(key)
    x = jax.random.randint(k_idx, (BATCH, HIST), 0, VOCAB, dtype=jnp.int64 if jax.config.jax_enable_x64 else jnp.int32)
    weight = 0.01 * jax.random.normal(k_w, (VOCAB, D_MODEL), dtype=jnp.float32)
    return {"x": x, "weight": weight}


def reference(x, weight):
    # gather embedding rows
    e = jnp.take(weight, x, axis=0)  # [B, L, D]
    # F.normalize(e, p=2, dim=-1) with eps=1e-12
    norm = jnp.linalg.norm(e, ord=2, axis=-1, keepdims=True)
    return e / jnp.maximum(norm, 1e-12)

if __name__ == "__main__":
    import jax
    _d = setup_inputs()
    print(jax.jit(kernel)(*tuple(_d.values())))

</pallas_src>

<mosaic_0001>
#map = affine_map<(d0, d1) -> (0, 0, 0)>
#map1 = affine_map<(d0, d1) -> (0, 0)>
module attributes {stable_mosaic.version = 14 : i64} {
  func.func @_sc_body(%arg0: i32, %arg1: i32, %arg2: memref<32x50x128xi32, #tpu.memory_space<hbm>>, %arg3: memref<100000x128xf32, #tpu.memory_space<hbm>>, %arg4: memref<204800x128xf32, #tpu.memory_space<hbm>>, %arg5: memref<50x128xi32, #tpu.memory_space<vmem>>, %arg6: memref<128x128xf32, #tpu.memory_space<vmem>>, %arg7: memref<128x128xf32, #tpu.memory_space<vmem>>, %arg8: memref<128x128xf32, #tpu.memory_space<vmem>>, %arg9: memref<128x128xf32, #tpu.memory_space<vmem>>, %arg10: memref<128x128xf32, #tpu.memory_space<vmem>>, %arg11: memref<128x128xf32, #tpu.memory_space<vmem>>, %arg12: memref<128x128xf32, #tpu.memory_space<vmem>>, %arg13: memref<!tpu.dma_semaphore, #tpu.memory_space<semaphore_mem>>, %arg14: memref<!tpu.dma_semaphore, #tpu.memory_space<semaphore_mem>>, %arg15: memref<!tpu.dma_semaphore, #tpu.memory_space<semaphore_mem>>, %arg16: memref<!tpu.dma_semaphore, #tpu.memory_space<semaphore_mem>>, %arg17: memref<!tpu.dma_semaphore, #tpu.memory_space<semaphore_mem>>, %arg18: memref<!tpu.dma_semaphore, #tpu.memory_space<semaphore_mem>>, %arg19: memref<!tpu.dma_semaphore, #tpu.memory_space<semaphore_mem>>, %arg20: memref<!tpu.dma_semaphore, #tpu.memory_space<semaphore_mem>>, %arg21: memref<!tpu.dma_semaphore, #tpu.memory_space<semaphore_mem>>, %arg22: memref<!tpu.dma_semaphore, #tpu.memory_space<semaphore_mem>>, %arg23: memref<!tpu.dma_semaphore, #tpu.memory_space<semaphore_mem>>, %arg24: memref<!tpu.dma_semaphore, #tpu.memory_space<semaphore_mem>>, %arg25: memref<!tpu.dma_semaphore, #tpu.memory_space<semaphore_mem>>, %arg26: memref<!tpu.dma_semaphore, #tpu.memory_space<semaphore_mem>>) attributes {dimension_semantics = [#tpu.dimension_semantics<core_parallel>, #tpu.dimension_semantics<subcore_parallel>], iteration_bounds = array<i64: 2, 16>, scalar_prefetch = 0 : i64, scratch_operands = 22 : i64, tpu.core_type = #tpu.core_type<sc_vector_subcore>, window_params = [{transform_indices = #map}, {transform_indices = #map1}, {transform_indices = #map1}]} {
    %mul3A = arith.constant 2 : i32
    %mul3A_0 = arith.muli %arg1, %mul3A : i32
    %add3A = arith.addi %mul3A_0, %arg0 : i32
    "tpu.region"() ({
      %run_scoped3A = tpu.sem_alloc : memref<!tpu.dma_semaphore, #tpu.memory_space<semaphore_mem>>
      %dma_start3A_164 = arith.constant 0 : i32
      %dma_start3A_165 = arith.constant 0 : i32
      %dma_start3A_166 = tpu.memref_slice %arg2[%add3A, %dma_start3A_164, %dma_start3A_165] : memref<32x50x128xi32, #tpu.memory_space<hbm>> -> memref<1x50x128xi32, #tpu.memory_space<hbm>>
      %dma_start3A_167 = tpu.memref_squeeze %dma_start3A_166 : memref<1x50x128xi32, #tpu.memory_space<hbm>> -> memref<50x128xi32, #tpu.memory_space<hbm>>
      %dma_start3A_168 = arith.constant 0 : i32
      %dma_start3A_169 = arith.constant 0 : i32
      %dma_start3A_170 = tpu.memref_slice %arg2[%add3A, %dma_start3A_168, %dma_start3A_169] : memref<32x50x128xi32, #tpu.memory_space<hbm>> -> memref<1x50x128xi32, #tpu.memory_space<hbm>>
      %dma_start3A_171 = tpu.memref_squeeze %dma_start3A_170 : memref<1x50x128xi32, #tpu.memory_space<hbm>> -> memref<50x128xi32, #tpu.memory_space<hbm>>
      tpu.enqueue_dma source(%dma_start3A_171 : memref<50x128xi32, #tpu.memory_space<hbm>>) target(%arg5 : memref<50x128xi32, #tpu.memory_space<vmem>>) target_semaphore(%run_scoped3A : memref<!tpu.dma_semaphore, #tpu.memory_space<semaphore_mem>>)
      %dma_wait3A_172 = arith.constant 0 : i32
      %dma_wait3A_173 = arith.constant 0 : i32
      %dma_wait3A_174 = tpu.memref_slice %arg2[%add3A, %dma_wait3A_172, %dma_wait3A_173] : memref<32x50x128xi32, #tpu.memory_space<hbm>> -> memref<1x50x128xi32, #tpu.memory_space<hbm>>
      %dma_wait3A_175 = tpu.memref_squeeze %dma_wait3A_174 : memref<1x50x128xi32, #tpu.memory_space<hbm>> -> memref<50x128xi32, #tpu.memory_space<hbm>>
      %dma_wait3A_176 = arith.constant 0 : i32
      %dma_wait3A_177 = arith.constant 0 : i32
      %dma_wait3A_178 = tpu.memref_slice %arg2[%add3A, %dma_wait3A_176, %dma_wait3A_177] : memref<32x50x128xi32, #tpu.memory_space<hbm>> -> memref<1x50x128xi32, #tpu.memory_space<hbm>>
      %dma_wait3A_179 = tpu.memref_squeeze %dma_wait3A_178 : memref<1x50x128xi32, #tpu.memory_space<hbm>> -> memref<50x128xi32, #tpu.memory_space<hbm>>
      tpu.wait_dma2 semaphore(%run_scoped3A : memref<!tpu.dma_semaphore, #tpu.memory_space<semaphore_mem>>) src(%dma_wait3A_179 : memref<50x128xi32, #tpu.memory_space<hbm>>) dst(%arg5 : memref<50x128xi32, #tpu.memory_space<vmem>>)
      tpu.yield
    }) : () -> ()
    %mul3A_1 = arith.constant 50 : i32
    %mul3A_2 = arith.muli %add3A, %mul3A_1 : i32
    %add3A_3 = arith.constant 0 : i32
    %add3A_4 = arith.addi %mul3A_2, %add3A_3 : i32
    %mul3A_5 = arith.constant 128 : i32
    %mul3A_6 = arith.muli %add3A_4, %mul3A_5 : i32
    %dma_start3A = arith.constant 0 : i32
    %dma_start3A_7 = tpu.memref_slice %arg4[%mul3A_6, %dma_start3A] : memref<204800x128xf32, #tpu.memory_space<hbm>> -> memref<128x128xf32, #tpu.memory_space<hbm>>
    %dma_start3A_8 = arith.constant 0 : i32
    %dma_start3A_9 = tpu.memref_slice %arg4[%mul3A_6, %dma_start3A_8] : memref<204800x128xf32, #tpu.memory_space<hbm>> -> memref<128x128xf32, #tpu.memory_space<hbm>>
    tpu.enqueue_dma source(%arg6 : memref<128x128xf32, #tpu.memory_space<vmem>>) target(%dma_start3A_9 : memref<128x128xf32, #tpu.memory_space<hbm>>) target_semaphore(%arg20 : memref<!tpu.dma_semaphore, #tpu.memory_space<semaphore_mem>>)
    %mul3A_10 = arith.constant 50 : i32
    %mul3A_11 = arith.muli %add3A, %mul3A_10 : i32
    %add3A_12 = arith.constant 1 : i32
    %add3A_13 = arith.addi %mul3A_11, %add3A_12 : i32
    %mul3A_14 = arith.constant 128 : i32
    %mul3A_15 = arith.muli %add3A_13, %mul3A_14 : i32
    %dma_start3A_16 = arith.constant 0 : i32
    %dma_start3A_17 = tpu.memref_slice %arg4[%mul3A_15, %dma_start3A_16] : memref<204800x128xf32, #tpu.memory_space<hbm>> -> memref<128x128xf32, #tpu.memory_space<hbm>>
    %dma_start3A_18 = arith.constant 0 : i32
    %dma_start3A_19 = tpu.memref_slice %arg4[%mul3A_15, %dma_start3A_18] : memref<204800x128xf32, #tpu.memory_space<hbm>> -> memref<128x128xf32, #tpu.memory_space<hbm>>
    tpu.enqueue_dma source(%arg7 : memref<128x128xf32, #tpu.memory_space<vmem>>) target(%dma_start3A_19 : memref<128x128xf32, #tpu.memory_space<hbm>>) target_semaphore(%arg21 : memref<!tpu.dma_semaphore, #tpu.memory_space<semaphore_mem>>)
    %mul3A_20 = arith.constant 50 : i32
    %mul3A_21 = arith.muli %add3A, %mul3A_20 : i32
    %add3A_22 = arith.constant 2 : i32
    %add3A_23 = arith.addi %mul3A_21, %add3A_22 : i32
    %mul3A_24 = arith.constant 128 : i32
    %mul3A_25 = arith.muli %add3A_23, %mul3A_24 : i32
    %dma_start3A_26 = arith.constant 0 : i32
    %dma_start3A_27 = tpu.memref_slice %arg4[%mul3A_25, %dma_start3A_26] : memref<204800x128xf32, #tpu.memory_space<hbm>> -> memref<128x128xf32, #tpu.memory_space<hbm>>
    %dma_start3A_28 = arith.constant 0 : i32
    %dma_start3A_29 = tpu.memref_slice %arg4[%mul3A_25, %dma_start3A_28] : memref<204800x128xf32, #tpu.memory_space<hbm>> -> memref<128x128xf32, #tpu.memory_space<hbm>>
    tpu.enqueue_dma source(%arg8 : memref<128x128xf32, #tpu.memory_space<vmem>>) target(%dma_start3A_29 : memref<128x128xf32, #tpu.memory_space<hbm>>) target_semaphore(%arg22 : memref<!tpu.dma_semaphore, #tpu.memory_space<semaphore_mem>>)
    %mul3A_30 = arith.constant 50 : i32
    %mul3A_31 = arith.muli %add3A, %mul3A_30 : i32
    %add3A_32 = arith.constant 3 : i32
    %add3A_33 = arith.addi %mul3A_31, %add3A_32 : i32
    %mul3A_34 = arith.constant 128 : i32
    %mul3A_35 = arith.muli %add3A_33, %mul3A_34 : i32
    %dma_start3A_36 = arith.constant 0 : i32
    %dma_start3A_37 = tpu.memref_slice %arg4[%mul3A_35, %dma_start3A_36] : memref<204800x128xf32, #tpu.memory_space<hbm>> -> memref<128x128xf32, #tpu.memory_space<hbm>>
    %dma_start3A_38 = arith.constant 0 : i32
    %dma_start3A_39 = tpu.memref_slice %arg4[%mul3A_35, %dma_start3A_38] : memref<204800x128xf32, #tpu.memory_space<hbm>> -> memref<128x128xf32, #tpu.memory_space<hbm>>
    tpu.enqueue_dma source(%arg9 : memref<128x128xf32, #tpu.memory_space<vmem>>) target(%dma_start3A_39 : memref<128x128xf32, #tpu.memory_space<hbm>>) target_semaphore(%arg23 : memref<!tpu.dma_semaphore, #tpu.memory_space<semaphore_mem>>)
    %mul3A_40 = arith.constant 50 : i32
    %mul3A_41 = arith.muli %add3A, %mul3A_40 : i32
    %add3A_42 = arith.constant 4 : i32
    %add3A_43 = arith.addi %mul3A_41, %add3A_42 : i32
    %mul3A_44 = arith.constant 128 : i32
    %mul3A_45 = arith.muli %add3A_43, %mul3A_44 : i32
    %dma_start3A_46 = arith.constant 0 : i32
    %dma_start3A_47 = tpu.memref_slice %arg4[%mul3A_45, %dma_start3A_46] : memref<204800x128xf32, #tpu.memory_space<hbm>> -> memref<128x128xf32, #tpu.memory_space<hbm>>
    %dma_start3A_48 = arith.constant 0 : i32
    %dma_start3A_49 = tpu.memref_slice %arg4[%mul3A_45, %dma_start3A_48] : memref<204800x128xf32, #tpu.memory_space<hbm>> -> memref<128x128xf32, #tpu.memory_space<hbm>>
    tpu.enqueue_dma source(%arg10 : memref<128x128xf32, #tpu.memory_space<vmem>>) target(%dma_start3A_49 : memref<128x128xf32, #tpu.memory_space<hbm>>) target_semaphore(%arg24 : memref<!tpu.dma_semaphore, #tpu.memory_space<semaphore_mem>>)
    %mul3A_50 = arith.constant 50 : i32
    %mul3A_51 = arith.muli %add3A, %mul3A_50 : i32
    %add3A_52 = arith.constant 5 : i32
    %add3A_53 = arith.addi %mul3A_51, %add3A_52 : i32
    %mul3A_54 = arith.constant 128 : i32
    %mul3A_55 = arith.muli %add3A_53, %mul3A_54 : i32
    %dma_start3A_56 = arith.constant 0 : i32
    %dma_start3A_57 = tpu.memref_slice %arg4[%mul3A_55, %dma_start3A_56] : memref<204800x128xf32, #tpu.memory_space<hbm>> -> memref<128x128xf32, #tpu.memory_space<hbm>>
    %dma_start3A_58 = arith.constant 0 : i32
    %dma_start3A_59 = tpu.memref_slice %arg4[%mul3A_55, %dma_start3A_58] : memref<204800x128xf32, #tpu.memory_space<hbm>> -> memref<128x128xf32, #tpu.memory_space<hbm>>
    tpu.enqueue_dma source(%arg11 : memref<128x128xf32, #tpu.memory_space<vmem>>) target(%dma_start3A_59 : memref<128x128xf32, #tpu.memory_space<hbm>>) target_semaphore(%arg25 : memref<!tpu.dma_semaphore, #tpu.memory_space<semaphore_mem>>)
    %mul3A_60 = arith.constant 50 : i32
    %mul3A_61 = arith.muli %add3A, %mul3A_60 : i32
    %add3A_62 = arith.constant 6 : i32
    %add3A_63 = arith.addi %mul3A_61, %add3A_62 : i32
    %mul3A_64 = arith.constant 128 : i32
    %mul3A_65 = arith.muli %add3A_63, %mul3A_64 : i32
    %dma_start3A_66 = arith.constant 0 : i32
    %dma_start3A_67 = tpu.memref_slice %arg4[%mul3A_65, %dma_start3A_66] : memref<204800x128xf32, #tpu.memory_space<hbm>> -> memref<128x128xf32, #tpu.memory_space<hbm>>
    %dma_start3A_68 = arith.constant 0 : i32
    %dma_start3A_69 = tpu.memref_slice %arg4[%mul3A_65, %dma_start3A_68] : memref<204800x128xf32, #tpu.memory_space<hbm>> -> memref<128x128xf32, #tpu.memory_space<hbm>>
    tpu.enqueue_dma source(%arg12 : memref<128x128xf32, #tpu.memory_space<vmem>>) target(%dma_start3A_69 : memref<128x128xf32, #tpu.memory_space<hbm>>) target_semaphore(%arg26 : memref<!tpu.dma_semaphore, #tpu.memory_space<semaphore_mem>>)
    %scan3A = arith.constant 0 : i32
    %scan3A_70 = arith.constant 0 : i32
    %scan3A_71 = arith.constant 6 : i32
    %scan3A_72 = arith.addi %scan3A_70, %scan3A_71 : i32
    %scan3A_73 = arith.constant 1 : i32
    scf.for %scan3A_164 = %scan3A_70 to %scan3A_72 step %scan3A_73  : i32 {
      %mul3A_165 = arith.constant 7 : i32
      %mul3A_166 = arith.muli %mul3A_165, %scan3A_164 : i32
      %add3A_167 = arith.constant 0 : i32
      %add3A_168 = arith.addi %mul3A_166, %add3A_167 : i32
      %mul3A_169 = arith.constant 50 : i32
      %mul3A_170 = arith.muli %add3A, %mul3A_169 : i32
      %add3A_171 = arith.addi %mul3A_170, %add3A_168 : i32
      %mul3A_172 = arith.constant 128 : i32
      %mul3A_173 = arith.muli %add3A_171, %mul3A_172 : i32
      %dma_wait3A_174 = arith.constant 0 : i32
      %dma_wait3A_175 = tpu.memref_slice %arg4[%mul3A_173, %dma_wait3A_174] : memref<204800x128xf32, #tpu.memory_space<hbm>> -> memref<128x128xf32, #tpu.memory_space<hbm>>
      %dma_wait3A_176 = arith.constant 0 : i32
      %dma_wait3A_177 = tpu.memref_slice %arg4[%mul3A_173, %dma_wait3A_176] : memref<204800x128xf32, #tpu.memory_space<hbm>> -> memref<128x128xf32, #tpu.memory_space<hbm>>
      tpu.wait_dma2 semaphore(%arg20 : memref<!tpu.dma_semaphore, #tpu.memory_space<semaphore_mem>>) src(%arg6 : memref<128x128xf32, #tpu.memory_space<vmem>>) dst(%dma_wait3A_177 : memref<128x128xf32, #tpu.memory_space<hbm>>)
      %add3A_178 = arith.constant 7 : i32
      %add3A_179 = arith.addi %mul3A_166, %add3A_178 : i32
      %add3A_180 = arith.constant 0 : i32
      %add3A_181 = arith.addi %add3A_179, %add3A_180 : i32
      %mul3A_182 = arith.constant 50 : i32
      %mul3A_183 = arith.muli %add3A, %mul3A_182 : i32
      %add3A_184 = arith.addi %mul3A_183, %add3A_181 : i32
      %mul3A_185 = arith.constant 128 : i32
      %mul3A_186 = arith.muli %add3A_184, %mul3A_185 : i32
      %dma_start3A_187 = arith.constant 0 : i32
      %dma_start3A_188 = tpu.memref_slice %arg4[%mul3A_186, %dma_start3A_187] : memref<204800x128xf32, #tpu.memory_space<hbm>> -> memref<128x128xf32, #tpu.memory_space<hbm>>
      %dma_start3A_189 = arith.constant 0 : i32
      %dma_start3A_190 = tpu.memref_slice %arg4[%mul3A_186, %dma_start3A_189] : memref<204800x128xf32, #tpu.memory_space<hbm>> -> memref<128x128xf32, #tpu.memory_space<hbm>>
      tpu.enqueue_dma source(%arg6 : memref<128x128xf32, #tpu.memory_space<vmem>>) target(%dma_start3A_190 : memref<128x128xf32, #tpu.memory_space<hbm>>) target_semaphore(%arg20 : memref<!tpu.dma_semaphore, #tpu.memory_space<semaphore_mem>>)
      %add3A_191 = arith.constant 1 : i32
      %add3A_192 = arith.addi %mul3A_166, %add3A_191 : i32
      %mul3A_193 = arith.constant 50 : i32
      %mul3A_194 = arith.muli %add3A, %mul3A_193 : i32
      %add3A_195 = arith.addi %mul3A_194, %add3A_192 : i32
      %mul3A_196 = arith.constant 128 : i32
      %mul3A_197 = arith.muli %add3A_195, %mul3A_196 : i32
      %dma_wait3A_198 = arith.constant 0 : i32
      %dma_wait3A_199 = tpu.memref_slice %arg4[%mul3A_197, %dma_wait3A_198] : memref<204800x128xf32, #tpu.memory_space<hbm>> -> memref<128x128xf32, #tpu.memory_space<hbm>>
      %dma_wait3A_200 = arith.constant 0 : i32
      %dma_wait3A_201 = tpu.memref_slice %arg4[%mul3A_197, %dma_wait3A_200] : memref<204800x128xf32, #tpu.memory_space<hbm>> -> memref<128x128xf32, #tpu.memory_space<hbm>>
      tpu.wait_dma2 semaphore(%arg21 : memref<!tpu.dma_semaphore, #tpu.memory_space<semaphore_mem>>) src(%arg7 : memref<128x128xf32, #tpu.memory_space<vmem>>) dst(%dma_wait3A_201 : memref<128x128xf32, #tpu.memory_space<hbm>>)
      %add3A_202 = arith.constant 7 : i32
      %add3A_203 = arith.addi %mul3A_166, %add3A_202 : i32
      %add3A_204 = arith.constant 1 : i32
      %add3A_205 = arith.addi %add3A_203, %add3A_204 : i32
      %mul3A_206 = arith.constant 50 : i32
      %mul3A_207 = arith.muli %add3A, %mul3A_206 : i32
      %add3A_208 = arith.addi %mul3A_207, %add3A_205 : i32
      %mul3A_209 = arith.constant 128 : i32
      %mul3A_210 = arith.muli %add3A_208, %mul3A_209 : i32
      %dma_start3A_211 = arith.constant 0 : i32
      %dma_start3A_212 = tpu.memref_slice %arg4[%mul3A_210, %dma_start3A_211] : memref<204800x128xf32, #tpu.memory_space<hbm>> -> memref<128x128xf32, #tpu.memory_space<hbm>>
      %dma_start3A_213 = arith.constant 0 : i32
      %dma_start3A_214 = tpu.memref_slice %arg4[%mul3A_210, %dma_start3A_213] : memref<204800x128xf32, #tpu.memory_space<hbm>> -> memref<128x128xf32, #tpu.memory_space<hbm>>
      tpu.enqueue_dma source(%arg7 : memref<128x128xf32, #tpu.memory_space<vmem>>) target(%dma_start3A_214 : memref<128x128xf32, #tpu.memory_space<hbm>>) target_semaphore(%arg21 : memref<!tpu.dma_semaphore, #tpu.memory_space<semaphore_mem>>)
      %add3A_215 = arith.constant 2 : i32
      %add3A_216 = arith.addi %mul3A_166, %add3A_215 : i32
      %mul3A_217 = arith.constant 50 : i32
      %mul3A_218 = arith.muli %add3A, %mul3A_217 : i32
      %add3A_219 = arith.addi %mul3A_218, %add3A_216 : i32
      %mul3A_220 = arith.constant 128 : i32
      %mul3A_221 = arith.muli %add3A_219, %mul3A_220 : i32
      %dma_wait3A_222 = arith.constant 0 : i32
      %dma_wait3A_223 = tpu.memref_slice %arg4[%mul3A_221, %dma_wait3A_222] : memref<204800x128xf32, #tpu.memory_space<hbm>> -> memref<128x128xf32, #tpu.memory_space<hbm>>
      %dma_wait3A_224 = arith.constant 0 : i32
      %dma_wait3A_225 = tpu.memref_slice %arg4[%mul3A_221, %dma_wait3A_224] : memref<204800x128xf32, #tpu.memory_space<hbm>> -> memref<128x128xf32, #tpu.memory_space<hbm>>
      tpu.wait_dma2 semaphore(%arg22 : memref<!tpu.dma_semaphore, #tpu.memory_space<semaphore_mem>>) src(%arg8 : memref<128x128xf32, #tpu.memory_space<vmem>>) dst(%dma_wait3A_225 : memref<128x128xf32, #tpu.memory_space<hbm>>)
      %add3A_226 = arith.constant 7 : i32
      %add3A_227 = arith.addi %mul3A_166, %add3A_226 : i32
      %add3A_228 = arith.constant 2 : i32
      %add3A_229 = arith.addi %add3A_227, %add3A_228 : i32
      %mul3A_230 = arith.constant 50 : i32
      %mul3A_231 = arith.muli %add3A, %mul3A_230 : i32
      %add3A_232 = arith.addi %mul3A_231, %add3A_229 : i32
      %mul3A_233 = arith.constant 128 : i32
      %mul3A_234 = arith.muli %add3A_232, %mul3A_233 : i32
      %dma_start3A_235 = arith.constant 0 : i32
      %dma_start3A_236 = tpu.memref_slice %arg4[%mul3A_234, %dma_start3A_235] : memref<204800x128xf32, #tpu.memory_space<hbm>> -> memref<128x128xf32, #tpu.memory_space<hbm>>
      %dma_start3A_237 = arith.constant 0 : i32
      %dma_start3A_238 = tpu.memref_slice %arg4[%mul3A_234, %dma_start3A_237] : memref<204800x128xf32, #tpu.memory_space<hbm>> -> memref<128x128xf32, #tpu.memory_space<hbm>>
      tpu.enqueue_dma source(%arg8 : memref<128x128xf32, #tpu.memory_space<vmem>>) target(%dma_start3A_238 : memref<128x128xf32, #tpu.memory_space<hbm>>) target_semaphore(%arg22 : memref<!tpu.dma_semaphore, #tpu.memory_space<semaphore_mem>>)
      %add3A_239 = arith.constant 3 : i32
      %add3A_240 = arith.addi %mul3A_166, %add3A_239 : i32
      %mul3A_241 = arith.constant 50 : i32
      %mul3A_242 = arith.muli %add3A, %mul3A_241 : i32
      %add3A_243 = arith.addi %mul3A_242, %add3A_240 : i32
      %mul3A_244 = arith.constant 128 : i32
      %mul3A_245 = arith.muli %add3A_243, %mul3A_244 : i32
      %dma_wait3A_246 = arith.constant 0 : i32
      %dma_wait3A_247 = tpu.memref_slice %arg4[%mul3A_245, %dma_wait3A_246] : memref<204800x128xf32, #tpu.memory_space<hbm>> -> memref<128x128xf32, #tpu.memory_space<hbm>>
      %dma_wait3A_248 = arith.constant 0 : i32
      %dma_wait3A_249 = tpu.memref_slice %arg4[%mul3A_245, %dma_wait3A_248] : memref<204800x128xf32, #tpu.memory_space<hbm>> -> memref<128x128xf32, #tpu.memory_space<hbm>>
      tpu.wait_dma2 semaphore(%arg23 : memref<!tpu.dma_semaphore, #tpu.memory_space<semaphore_mem>>) src(%arg9 : memref<128x128xf32, #tpu.memory_space<vmem>>) dst(%dma_wait3A_249 : memref<128x128xf32, #tpu.memory_space<hbm>>)
      %add3A_250 = arith.constant 7 : i32
      %add3A_251 = arith.addi %mul3A_166, %add3A_250 : i32
      %add3A_252 = arith.constant 3 : i32
      %add3A_253 = arith.addi %add3A_251, %add3A_252 : i32
      %mul3A_254 = arith.constant 50 : i32
      %mul3A_255 = arith.muli %add3A, %mul3A_254 : i32
      %add3A_256 = arith.addi %mul3A_255, %add3A_253 : i32
      %mul3A_257 = arith.constant 128 : i32
      %mul3A_258 = arith.muli %add3A_256, %mul3A_257 : i32
      %dma_start3A_259 = arith.constant 0 : i32
      %dma_start3A_260 = tpu.memref_slice %arg4[%mul3A_258, %dma_start3A_259] : memref<204800x128xf32, #tpu.memory_space<hbm>> -> memref<128x128xf32, #tpu.memory_space<hbm>>
      %dma_start3A_261 = arith.constant 0 : i32
      %dma_start3A_262 = tpu.memref_slice %arg4[%mul3A_258, %dma_start3A_261] : memref<204800x128xf32, #tpu.memory_space<hbm>> -> memref<128x128xf32, #tpu.memory_space<hbm>>
      tpu.enqueue_dma source(%arg9 : memref<128x128xf32, #tpu.memory_space<vmem>>) target(%dma_start3A_262 : memref<128x128xf32, #tpu.memory_space<hbm>>) target_semaphore(%arg23 : memref<!tpu.dma_semaphore, #tpu.memory_space<semaphore_mem>>)
      %add3A_263 = arith.constant 4 : i32
      %add3A_264 = arith.addi %mul3A_166, %add3A_263 : i32
      %mul3A_265 = arith.constant 50 : i32
      %mul3A_266 = arith.muli %add3A, %mul3A_265 : i32
      %add3A_267 = arith.addi %mul3A_266, %add3A_264 : i32
      %mul3A_268 = arith.constant 128 : i32
      %mul3A_269 = arith.muli %add3A_267, %mul3A_268 : i32
      %dma_wait3A_270 = arith.constant 0 : i32
      %dma_wait3A_271 = tpu.memref_slice %arg4[%mul3A_269, %dma_wait3A_270] : memref<204800x128xf32, #tpu.memory_space<hbm>> -> memref<128x128xf32, #tpu.memory_space<hbm>>
      %dma_wait3A_272 = arith.constant 0 : i32
      %dma_wait3A_273 = tpu.memref_slice %arg4[%mul3A_269, %dma_wait3A_272] : memref<204800x128xf32, #tpu.memory_space<hbm>> -> memref<128x128xf32, #tpu.memory_space<hbm>>
      tpu.wait_dma2 semaphore(%arg24 : memref<!tpu.dma_semaphore, #tpu.memory_space<semaphore_mem>>) src(%arg10 : memref<128x128xf32, #tpu.memory_space<vmem>>) dst(%dma_wait3A_273 : memref<128x128xf32, #tpu.memory_space<hbm>>)
      %add3A_274 = arith.constant 7 : i32
      %add3A_275 = arith.addi %mul3A_166, %add3A_274 : i32
      %add3A_276 = arith.constant 4 : i32
      %add3A_277 = arith.addi %add3A_275, %add3A_276 : i32
      %mul3A_278 = arith.constant 50 : i32
      %mul3A_279 = arith.muli %add3A, %mul3A_278 : i32
      %add3A_280 = arith.addi %mul3A_279, %add3A_277 : i32
      %mul3A_281 = arith.constant 128 : i32
      %mul3A_282 = arith.muli %add3A_280, %mul3A_281 : i32
      %dma_start3A_283 = arith.constant 0 : i32
      %dma_start3A_284 = tpu.memref_slice %arg4[%mul3A_282, %dma_start3A_283] : memref<204800x128xf32, #tpu.memory_space<hbm>> -> memref<128x128xf32, #tpu.memory_space<hbm>>
      %dma_start3A_285 = arith.constant 0 : i32
      %dma_start3A_286 = tpu.memref_slice %arg4[%mul3A_282, %dma_start3A_285] : memref<204800x128xf32, #tpu.memory_space<hbm>> -> memref<128x128xf32, #tpu.memory_space<hbm>>
      tpu.enqueue_dma source(%arg10 : memref<128x128xf32, #tpu.memory_space<vmem>>) target(%dma_start3A_286 : memref<128x128xf32, #tpu.memory_space<hbm>>) target_semaphore(%arg24 : memref<!tpu.dma_semaphore, #tpu.memory_space<semaphore_mem>>)
      %add3A_287 = arith.constant 5 : i32
      %add3A_288 = arith.addi %mul3A_166, %add3A_287 : i32
      %mul3A_289 = arith.constant 50 : i32
      %mul3A_290 = arith.muli %add3A, %mul3A_289 : i32
      %add3A_291 = arith.addi %mul3A_290, %add3A_288 : i32
      %mul3A_292 = arith.constant 128 : i32
      %mul3A_293 = arith.muli %add3A_291, %mul3A_292 : i32
      %dma_wait3A_294 = arith.constant 0 : i32
      %dma_wait3A_295 = tpu.memref_slice %arg4[%mul3A_293, %dma_wait3A_294] : memref<204800x128xf32, #tpu.memory_space<hbm>> -> memref<128x128xf32, #tpu.memory_space<hbm>>
      %dma_wait3A_296 = arith.constant 0 : i32
      %dma_wait3A_297 = tpu.memref_slice %arg4[%mul3A_293, %dma_wait3A_296] : memref<204800x128xf32, #tpu.memory_space<hbm>> -> memref<128x128xf32, #tpu.memory_space<hbm>>
      tpu.wait_dma2 semaphore(%arg25 : memref<!tpu.dma_semaphore, #tpu.memory_space<semaphore_mem>>) src(%arg11 : memref<128x128xf32, #tpu.memory_space<vmem>>) dst(%dma_wait3A_297 : memref<128x128xf32, #tpu.memory_space<hbm>>)
      %add3A_298 = arith.constant 7 : i32
      %add3A_299 = arith.addi %mul3A_166, %add3A_298 : i32
      %add3A_300 = arith.constant 5 : i32
      %add3A_301 = arith.addi %add3A_299, %add3A_300 : i32
      %mul3A_302 = arith.constant 50 : i32
      %mul3A_303 = arith.muli %add3A, %mul3A_302 : i32
      %add3A_304 = arith.addi %mul3A_303, %add3A_301 : i32
      %mul3A_305 = arith.constant 128 : i32
      %mul3A_306 = arith.muli %add3A_304, %mul3A_305 : i32
      %dma_start3A_307 = arith.constant 0 : i32
      %dma_start3A_308 = tpu.memref_slice %arg4[%mul3A_306, %dma_start3A_307] : memref<204800x128xf32, #tpu.memory_space<hbm>> -> memref<128x128xf32, #tpu.memory_space<hbm>>
      %dma_start3A_309 = arith.constant 0 : i32
      %dma_start3A_310 = tpu.memref_slice %arg4[%mul3A_306, %dma_start3A_309] : memref<204800x128xf32, #tpu.memory_space<hbm>> -> memref<128x128xf32, #tpu.memory_space<hbm>>
      tpu.enqueue_dma source(%arg11 : memref<128x128xf32, #tpu.memory_space<vmem>>) target(%dma_start3A_310 : memref<128x128xf32, #tpu.memory_space<hbm>>) target_semaphore(%arg25 : memref<!tpu.dma_semaphore, #tpu.memory_space<semaphore_mem>>)
      %add3A_311 = arith.constant 6 : i32
      %add3A_312 = arith.addi %mul3A_166, %add3A_311 : i32
      %mul3A_313 = arith.constant 50 : i32
      %mul3A_314 = arith.muli %add3A, %mul3A_313 : i32
      %add3A_315 = arith.addi %mul3A_314, %add3A_312 : i32
      %mul3A_316 = arith.constant 128 : i32
      %mul3A_317 = arith.muli %add3A_315, %mul3A_316 : i32
      %dma_wait3A_318 = arith.constant 0 : i32
      %dma_wait3A_319 = tpu.memref_slice %arg4[%mul3A_317, %dma_wait3A_318] : memref<204800x128xf32, #tpu.memory_space<hbm>> -> memref<128x128xf32, #tpu.memory_space<hbm>>
      %dma_wait3A_320 = arith.constant 0 : i32
      %dma_wait3A_321 = tpu.memref_slice %arg4[%mul3A_317, %dma_wait3A_320] : memref<204800x128xf32, #tpu.memory_space<hbm>> -> memref<128x128xf32, #tpu.memory_space<hbm>>
      tpu.wait_dma2 semaphore(%arg26 : memref<!tpu.dma_semaphore, #tpu.memory_space<semaphore_mem>>) src(%arg12 : memref<128x128xf32, #tpu.memory_space<vmem>>) dst(%dma_wait3A_321 : memref<128x128xf32, #tpu.memory_space<hbm>>)
      %add3A_322 = arith.constant 7 : i32
      %add3A_323 = arith.addi %mul3A_166, %add3A_322 : i32
      %add3A_324 = arith.constant 6 : i32
      %add3A_325 = arith.addi %add3A_323, %add3A_324 : i32
      %mul3A_326 = arith.constant 50 : i32
      %mul3A_327 = arith.muli %add3A, %mul3A_326 : i32
      %add3A_328 = arith.addi %mul3A_327, %add3A_325 : i32
      %mul3A_329 = arith.constant 128 : i32
      %mul3A_330 = arith.muli %add3A_328, %mul3A_329 : i32
      %dma_start3A_331 = arith.constant 0 : i32
      %dma_start3A_332 = tpu.memref_slice %arg4[%mul3A_330, %dma_start3A_331] : memref<204800x128xf32, #tpu.memory_space<hbm>> -> memref<128x128xf32, #tpu.memory_space<hbm>>
      %dma_start3A_333 = arith.constant 0 : i32
      %dma_start3A_334 = tpu.memref_slice %arg4[%mul3A_330, %dma_start3A_333] : memref<204800x128xf32, #tpu.memory_space<hbm>> -> memref<128x128xf32, #tpu.memory_space<hbm>>
      tpu.enqueue_dma source(%arg12 : memref<128x128xf32, #tpu.memory_space<vmem>>) target(%dma_start3A_334 : memref<128x128xf32, #tpu.memory_space<hbm>>) target_semaphore(%arg26 : memref<!tpu.dma_semaphore, #tpu.memory_space<semaphore_mem>>)
    }
    %scan3A_74 = arith.constant 6 : i32
    %mul3A_75 = arith.constant 50 : i32
    %mul3A_76 = arith.muli %add3A, %mul3A_75 : i32
    %add3A_77 = arith.constant 42 : i32
    %add3A_78 = arith.addi %mul3A_76, %add3A_77 : i32
    %mul3A_79 = arith.constant 128 : i32
    %mul3A_80 = arith.muli %add3A_78, %mul3A_79 : i32
    %dma_wait3A = arith.constant 0 : i32
    %dma_wait3A_81 = tpu.memref_slice %arg4[%mul3A_80, %dma_wait3A] : memref<204800x128xf32, #tpu.memory_space<hbm>> -> memref<128x128xf32, #tpu.memory_space<hbm>>
    %dma_wait3A_82 = arith.constant 0 : i32
    %dma_wait3A_83 = tpu.memref_slice %arg4[%mul3A_80, %dma_wait3A_82] : memref<204800x128xf32, #tpu.memory_space<hbm>> -> memref<128x128xf32, #tpu.memory_space<hbm>>
    tpu.wait_dma2 semaphore(%arg20 : memref<!tpu.dma_semaphore, #tpu.memory_space<semaphore_mem>>) src(%arg6 : memref<128x128xf32, #tpu.memory_space<vmem>>) dst(%dma_wait3A_83 : memref<128x128xf32, #tpu.memory_space<hbm>>)
    %mul3A_84 = arith.constant 50 : i32
    %mul3A_85 = arith.muli %add3A, %mul3A_84 : i32
    %add3A_86 = arith.constant 43 : i32
    %add3A_87 = arith.addi %mul3A_85, %add3A_86 : i32
    %mul3A_88 = arith.constant 128 : i32
    %mul3A_89 = arith.muli %add3A_87, %mul3A_88 : i32
    %dma_wait3A_90 = arith.constant 0 : i32
    %dma_wait3A_91 = tpu.memref_slice %arg4[%mul3A_89, %dma_wait3A_90] : memref<204800x128xf32, #tpu.memory_space<hbm>> -> memref<128x128xf32, #tpu.memory_space<hbm>>
    %dma_wait3A_92 = arith.constant 0 : i32
    %dma_wait3A_93 = tpu.memref_slice %arg4[%mul3A_89, %dma_wait3A_92] : memref<204800x128xf32, #tpu.memory_space<hbm>> -> memref<128x128xf32, #tpu.memory_space<hbm>>
    tpu.wait_dma2 semaphore(%arg21 : memref<!tpu.dma_semaphore, #tpu.memory_space<semaphore_mem>>) src(%arg7 : memref<128x128xf32, #tpu.memory_space<vmem>>) dst(%dma_wait3A_93 : memref<128x128xf32, #tpu.memory_space<hbm>>)
    %mul3A_94 = arith.constant 50 : i32
    %mul3A_95 = arith.muli %add3A, %mul3A_94 : i32
    %add3A_96 = arith.constant 44 : i32
    %add3A_97 = arith.addi %mul3A_95, %add3A_96 : i32
    %mul3A_98 = arith.constant 128 : i32
    %mul3A_99 = arith.muli %add3A_97, %mul3A_98 : i32
    %dma_wait3A_100 = arith.constant 0 : i32
    %dma_wait3A_101 = tpu.memref_slice %arg4[%mul3A_99, %dma_wait3A_100] : memref<204800x128xf32, #tpu.memory_space<hbm>> -> memref<128x128xf32, #tpu.memory_space<hbm>>
    %dma_wait3A_102 = arith.constant 0 : i32
    %dma_wait3A_103 = tpu.memref_slice %arg4[%mul3A_99, %dma_wait3A_102] : memref<204800x128xf32, #tpu.memory_space<hbm>> -> memref<128x128xf32, #tpu.memory_space<hbm>>
    tpu.wait_dma2 semaphore(%arg22 : memref<!tpu.dma_semaphore, #tpu.memory_space<semaphore_mem>>) src(%arg8 : memref<128x128xf32, #tpu.memory_space<vmem>>) dst(%dma_wait3A_103 : memref<128x128xf32, #tpu.memory_space<hbm>>)
    %mul3A_104 = arith.constant 50 : i32
    %mul3A_105 = arith.muli %add3A, %mul3A_104 : i32
    %add3A_106 = arith.constant 45 : i32
    %add3A_107 = arith.addi %mul3A_105, %add3A_106 : i32
    %mul3A_108 = arith.constant 128 : i32
    %mul3A_109 = arith.muli %add3A_107, %mul3A_108 : i32
    %dma_wait3A_110 = arith.constant 0 : i32
    %dma_wait3A_111 = tpu.memref_slice %arg4[%mul3A_109, %dma_wait3A_110] : memref<204800x128xf32, #tpu.memory_space<hbm>> -> memref<128x128xf32, #tpu.memory_space<hbm>>
    %dma_wait3A_112 = arith.constant 0 : i32
    %dma_wait3A_113 = tpu.memref_slice %arg4[%mul3A_109, %dma_wait3A_112] : memref<204800x128xf32, #tpu.memory_space<hbm>> -> memref<128x128xf32, #tpu.memory_space<hbm>>
    tpu.wait_dma2 semaphore(%arg23 : memref<!tpu.dma_semaphore, #tpu.memory_space<semaphore_mem>>) src(%arg9 : memref<128x128xf32, #tpu.memory_space<vmem>>) dst(%dma_wait3A_113 : memref<128x128xf32, #tpu.memory_space<hbm>>)
    %mul3A_114 = arith.constant 50 : i32
    %mul3A_115 = arith.muli %add3A, %mul3A_114 : i32
    %add3A_116 = arith.constant 46 : i32
    %add3A_117 = arith.addi %mul3A_115, %add3A_116 : i32
    %mul3A_118 = arith.constant 128 : i32
    %mul3A_119 = arith.muli %add3A_117, %mul3A_118 : i32
    %dma_wait3A_120 = arith.constant 0 : i32
    %dma_wait3A_121 = tpu.memref_slice %arg4[%mul3A_119, %dma_wait3A_120] : memref<204800x128xf32, #tpu.memory_space<hbm>> -> memref<128x128xf32, #tpu.memory_space<hbm>>
    %dma_wait3A_122 = arith.constant 0 : i32
    %dma_wait3A_123 = tpu.memref_slice %arg4[%mul3A_119, %dma_wait3A_122] : memref<204800x128xf32, #tpu.memory_space<hbm>> -> memref<128x128xf32, #tpu.memory_space<hbm>>
    tpu.wait_dma2 semaphore(%arg24 : memref<!tpu.dma_semaphore, #tpu.memory_space<semaphore_mem>>) src(%arg10 : memref<128x128xf32, #tpu.memory_space<vmem>>) dst(%dma_wait3A_123 : memref<128x128xf32, #tpu.memory_space<hbm>>)
    %mul3A_124 = arith.constant 50 : i32
    %mul3A_125 = arith.muli %add3A, %mul3A_124 : i32
    %add3A_126 = arith.constant 47 : i32
    %add3A_127 = arith.addi %mul3A_125, %add3A_126 : i32
    %mul3A_128 = arith.constant 128 : i32
    %mul3A_129 = arith.muli %add3A_127, %mul3A_128 : i32
    %dma_wait3A_130 = arith.constant 0 : i32
    %dma_wait3A_131 = tpu.memref_slice %arg4[%mul3A_129, %dma_wait3A_130] : memref<204800x128xf32, #tpu.memory_space<hbm>> -> memref<128x128xf32, #tpu.memory_space<hbm>>
    %dma_wait3A_132 = arith.constant 0 : i32
    %dma_wait3A_133 = tpu.memref_slice %arg4[%mul3A_129, %dma_wait3A_132] : memref<204800x128xf32, #tpu.memory_space<hbm>> -> memref<128x128xf32, #tpu.memory_space<hbm>>
    tpu.wait_dma2 semaphore(%arg25 : memref<!tpu.dma_semaphore, #tpu.memory_space<semaphore_mem>>) src(%arg11 : memref<128x128xf32, #tpu.memory_space<vmem>>) dst(%dma_wait3A_133 : memref<128x128xf32, #tpu.memory_space<hbm>>)
    %mul3A_134 = arith.constant 50 : i32
    %mul3A_135 = arith.muli %add3A, %mul3A_134 : i32
    %add3A_136 = arith.constant 48 : i32
    %add3A_137 = arith.addi %mul3A_135, %add3A_136 : i32
    %mul3A_138 = arith.constant 128 : i32
    %mul3A_139 = arith.muli %add3A_137, %mul3A_138 : i32
    %dma_wait3A_140 = arith.constant 0 : i32
    %dma_wait3A_141 = tpu.memref_slice %arg4[%mul3A_139, %dma_wait3A_140] : memref<204800x128xf32, #tpu.memory_space<hbm>> -> memref<128x128xf32, #tpu.memory_space<hbm>>
    %dma_wait3A_142 = arith.constant 0 : i32
    %dma_wait3A_143 = tpu.memref_slice %arg4[%mul3A_139, %dma_wait3A_142] : memref<204800x128xf32, #tpu.memory_space<hbm>> -> memref<128x128xf32, #tpu.memory_space<hbm>>
    tpu.wait_dma2 semaphore(%arg26 : memref<!tpu.dma_semaphore, #tpu.memory_space<semaphore_mem>>) src(%arg12 : memref<128x128xf32, #tpu.memory_space<vmem>>) dst(%dma_wait3A_143 : memref<128x128xf32, #tpu.memory_space<hbm>>)
    %mul3A_144 = arith.constant 50 : i32
    %mul3A_145 = arith.muli %add3A, %mul3A_144 : i32
    %add3A_146 = arith.constant 49 : i32
    %add3A_147 = arith.addi %mul3A_145, %add3A_146 : i32
    %mul3A_148 = arith.constant 128 : i32
    %mul3A_149 = arith.muli %add3A_147, %mul3A_148 : i32
    %dma_start3A_150 = arith.constant 0 : i32
    %dma_start3A_151 = tpu.memref_slice %arg4[%mul3A_149, %dma_start3A_150] : memref<204800x128xf32, #tpu.memory_space<hbm>> -> memref<128x128xf32, #tpu.memory_space<hbm>>
    %dma_start3A_152 = arith.constant 0 : i32
    %dma_start3A_153 = tpu.memref_slice %arg4[%mul3A_149, %dma_start3A_152] : memref<204800x128xf32, #tpu.memory_space<hbm>> -> memref<128x128xf32, #tpu.memory_space<hbm>>
    tpu.enqueue_dma source(%arg6 : memref<128x128xf32, #tpu.memory_space<vmem>>) target(%dma_start3A_153 : memref<128x128xf32, #tpu.memory_space<hbm>>) target_semaphore(%arg20 : memref<!tpu.dma_semaphore, #tpu.memory_space<semaphore_mem>>)
    %mul3A_154 = arith.constant 50 : i32
    %mul3A_155 = arith.muli %add3A, %mul3A_154 : i32
    %add3A_156 = arith.constant 49 : i32
    %add3A_157 = arith.addi %mul3A_155, %add3A_156 : i32
    %mul3A_158 = arith.constant 128 : i32
    %mul3A_159 = arith.muli %add3A_157, %mul3A_158 : i32
    %dma_wait3A_160 = arith.constant 0 : i32
    %dma_wait3A_161 = tpu.memref_slice %arg4[%mul3A_159, %dma_wait3A_160] : memref<204800x128xf32, #tpu.memory_space<hbm>> -> memref<128x128xf32, #tpu.memory_space<hbm>>
    %dma_wait3A_162 = arith.constant 0 : i32
    %dma_wait3A_163 = tpu.memref_slice %arg4[%mul3A_159, %dma_wait3A_162] : memref<204800x128xf32, #tpu.memory_space<hbm>> -> memref<128x128xf32, #tpu.memory_space<hbm>>
    tpu.wait_dma2 semaphore(%arg20 : memref<!tpu.dma_semaphore, #tpu.memory_space<semaphore_mem>>) src(%arg6 : memref<128x128xf32, #tpu.memory_space<vmem>>) dst(%dma_wait3A_163 : memref<128x128xf32, #tpu.memory_space<hbm>>)
    return
  }
}

</mosaic_0001>

<sc_bundles>
// kernel: kernel.3.cloned.1.call-start
scs
__scs_entry_jumppad:
0x0: {  	(pc) =	sbr.rel $0x88, $3  }
0x1: {  	(tag) =	ssettag $0x0;
	lr =	simm.s32 $0x1  }
0x2: {  	[smem:$0x3F9F] =	sst lr;
	_ =	strace $0xD0000000  }
0x3: {  	_ = 	snop  }
0x4: {  	_ = 	snop  }
0x5: {  	_ = 	snop  }
0x6: {  	_ = 	snop  }
0x7: {  	_ = 	snop  }
__scs_overlays_trampoline_lowered:
0x8: {  	[smem:$0x3FAE] =	sst s0  }
0x9: {  	[smem:$0x3FAF] =	sst s1  }
0xa: {  	[smem:$0x3FB0] =	sst s2  }
0xb: {  	[smem:$0x3FB1] =	sst s3  }
0xc: {  	[smem:$0x3FB2] =	sst s4  }
0xd: {  	[smem:$0x3FB3] =	sst s5  }
0xe: {  	[smem:$0x3FB4] =	sst s6  }
0xf: {  	[smem:$0x3FB5] =	sst s7  }
0x10: {  	[smem:$0x3FB6] =	sst s8  }
0x11: {  	[smem:$0x3FB7] =	sst s9;
	s0 =	simm.s32 @!p0 $0x0  }
0x12: {  	s1 =	sld [smem:$0x3F9D];
	s0 =	simm.s32 @p0 $0x1  }
0x13: {  	[smem:$0x3FB8] =	sst s0;
	s0 =	simm.s32 @!p1 $0x0  }
0x14: {  	s2 =	sld [smem:$0x3F9C];
	s0 =	simm.s32 @p1 $0x1  }
0x15: {  	[smem:$0x3FB9] =	sst s0;
	s0 =	simm.s32 @!p2 $0x0  }
0x16: {  	s3 =	sld [smem:$0x3FDB];
	s0 =	simm.s32 @p2 $0x1  }
0x17: {  	s4 =	simm.s32 $0x1BF5;
	[smem:$0x3FBB] =	sst s0  }
0x18: {  	s0 =	sld [smem:$0x3F9E];
	_ =	swait.ge [sflag:s4], $0x0  }
0x19: {  	s7 =	sld [smem:$0x3F9F]  }
0x1a: {  	s8 =	sadd.s32 $0xFFFFE003, lr  }
0x1b: {  	s9 =	sadd.s32 $0xFFFFFEF7, lr;
	s5 =	simm.s32 $0xFFFFFFFF;
	p2 =	slt.u32 s8, $0xFFFFF086  }
0x1c: {  	p1 =	slt.u32 s9, $0xF7A;
	s5 =	simm.s32 @!p2 $0x0  }
0x1d: {  	s5 =	simm.s32 @p1 $0x1;
	p0 =	seq.s32 s7, s2  }
0x1e: {  	s7 =	smul.u32 @!p0 $0xF7A, s2;
	p2 =	seq.s32 @!p0 s5, $0x0  }
0x1f: {  	s9 =	smul.u32 $0xF7A, s1;
	s8 =	simm.s32 @!p0 $0x1BF5;
	p2 =	por !p2, p0  }
0x20: {  	[sflag:s8] =	ssyncset.s32 @!p0 $0xFFFFF086;
	s6 =	sadd.s32 @!p0 s3, s7;
	s7 =	simm.s32 @!p0 $0x108  }
0x21: {  	s3 =	sadd.s32 s3, s9;
	s6 =	sadd.s32 @!p0 $0x88, s6;
	s7 =	simm.s32 @p2 $0x1082  }
0x22: {  	[simem:s7], [sflag:s8] =	dma.local @!p0 [hbm:s6], $0xF7A  }
0x23: {  	s9 =	sor.u32 $0xD0000000, s2;
	s6 =	simm.s32 $0x108;
	_ =	swait.ge @!p0 [sflag:s8], $0x0  }
0x24: {  	s3 =	sadd.s32 $0x88, s3;
	s6 =	simm.s32 @!p1 $0x1082;
	[sflag:s4] =	ssyncset.s32 $0xFFFFF086  }
0x25: {  	[simem:s6], [sflag:s4] =	dma.local [hbm:s3], $0xF7A  }
0x26: {  	[smem:$0x3F9F] =	sst s1;
	(tag) =	ssettag s2;
	_ =	strace s9  }
0x27: {  	s1 =	sld [smem:$0x3FAF]  }
0x28: {  	s2 =	sld [smem:$0x3FB0]  }
0x29: {  	s4 =	sld [smem:$0x3FB2]  }
0x2a: {  	p0 =	seq.s32 s5, $0x0;
	s5 =	sld [smem:$0x3FB3]  }
0x2b: {  	s6 =	sld [smem:$0x3FB4]  }
0x2c: {  	s7 =	sld [smem:$0x3FB5]  }
0x2d: {  	s3 =	simm.s32 $0x108;
	s8 =	sld [smem:$0x3FB6]  }
0x2e: {  	s3 =	simm.s32 @!p0 $0x1082;
	s9 =	sld [smem:$0x3FB7]  }
0x2f: {  	lr =	sadd.s32 s0, s3;
	s0 =	sld [smem:$0x3FAE]  }
0x30: {  	s3 =	sld [smem:$0x3FB1]  }
0x31: {  	[smem:$0x3FBA] =	sst s10  }
0x32: {  	s10 =	sld [smem:$0x3FB8];
	_ =	sdelay $0x3  }
0x33: {  	p0 =	seq.s32 s10, $0x1;
	s10 =	sld [smem:$0x3FBA];
	_ =	sdelay $0x3  }
0x34: {  	[smem:$0x3FBA] =	sst s10  }
0x35: {  	s10 =	sld [smem:$0x3FB9];
	_ =	sdelay $0x3  }
0x36: {  	p1 =	seq.s32 s10, $0x1;
	s10 =	sld [smem:$0x3FBA];
	_ =	sdelay $0x3  }
0x37: {  	[smem:$0x3FBA] =	sst s10  }
0x38: {  	s10 =	sld [smem:$0x3FBB]  }
0x39: {  	_ = 	snop;
	(pc) =	sbr.ind lr, $3  }
0x3a: {  	_ = 	snop  }
0x3b: {  	_ = 	snop  }
0x3c: {  	p2 =	seq.s32 s10, $0x1;
	s10 =	sld [smem:$0x3FBA]  }
0x3d: {  	_ =	shalt  }
0x3e: {  	_ =	shalt  }
0x3f: {  	_ =	shalt  }
0x40: {  	_ =	shalt  }
0x41: {  	_ =	shalt  }
0x42: {  	_ =	shalt  }
0x43: {  	_ =	shalt  }
0x44: {  	_ =	shalt  }
0x45: {  	_ =	shalt  }
0x46: {  	_ =	shalt  }
0x47: {  	_ =	shalt  }
0x48: {  	_ =	shalt  }
0x49: {  	_ =	shalt  }
0x4a: {  	_ =	shalt  }
0x4b: {  	_ =	shalt  }
0x4c: {  	_ =	shalt  }
0x4d: {  	_ =	shalt  }
0x4e: {  	_ =	shalt  }
0x4f: {  	_ =	shalt  }
0x50: {  	_ =	shalt  }
0x51: {  	_ =	shalt  }
0x52: {  	_ =	shalt  }
0x53: {  	_ =	shalt  }
0x54: {  	_ =	shalt  }
0x55: {  	_ =	shalt  }
0x56: {  	_ =	shalt  }
0x57: {  	_ =	shalt  }
0x58: {  	_ =	shalt  }
0x59: {  	_ =	shalt  }
0x5a: {  	_ =	shalt  }
0x5b: {  	_ =	shalt  }
0x5c: {  	_ =	shalt  }
0x5d: {  	_ =	shalt  }
0x5e: {  	_ =	shalt  }
0x5f: {  	_ =	shalt  }
0x60: {  	_ =	shalt  }
0x61: {  	_ =	shalt  }
0x62: {  	_ =	shalt  }
0x63: {  	_ =	shalt  }
0x64: {  	_ =	shalt  }
0x65: {  	_ =	shalt  }
0x66: {  	_ =	shalt  }
0x67: {  	_ =	shalt  }
0x68: {  	_ =	shalt  }
0x69: {  	_ =	shalt  }
0x6a: {  	_ =	shalt  }
0x6b: {  	_ =	shalt  }
0x6c: {  	_ =	shalt  }
0x6d: {  	_ =	shalt  }
0x6e: {  	_ =	shalt  }
0x6f: {  	_ =	shalt  }
0x70: {  	_ =	shalt  }
0x71: {  	_ =	shalt  }
0x72: {  	_ =	shalt  }
0x73: {  	_ =	shalt  }
0x74: {  	_ =	shalt  }
0x75: {  	_ =	shalt  }
0x76: {  	_ =	shalt  }
0x77: {  	_ =	shalt  }
0x78: {  	_ =	shalt  }
0x79: {  	_ =	shalt  }
0x7a: {  	_ =	shalt  }
0x7b: {  	_ =	shalt  }
0x7c: {  	_ =	shalt  }
0x7d: {  	_ =	shalt  }
0x7e: {  	_ =	shalt  }
0x7f: {  	_ =	shalt  }
0x80: {  	_ =	shalt  }
0x81: {  	_ =	shalt  }
0x82: {  	_ =	shalt  }
0x83: {  	_ =	shalt  }
0x84: {  	_ =	shalt  }
0x85: {  	_ =	shalt  }
0x86: {  	_ =	shalt  }
0x87: {  	_ =	shalt  }
.Lfunc_end0:
.L_simem_size_0:
called_computation_lowered:
.L_overlay_start_0:
0x88: {  	s2 =	sld [smem:$0x3FD9]  }
0x89: {  	s3 =	sld [smem:$0x3FFE];
	_ =	sdelay $0x1  }
0x8a: {  	s1 =	srdreg.scid  }
0x8b: {  	s0 =	sand.u32 $0x1, s1  }
0x8c: {  	s17 =	sshll.u32 s0, $0xA;
	s2 =	sadd.s32 s3, s2  }
0x8d: {  	s2 =	sadd.s32 s2, s17  }
0x8e: {  	[smem:$0x3FC6] =	sst s2  }
0x8f: {  	_ = 	snop  }
0x90: {  	s2 =	sld [smem:$0x3FD0];
	(tm) =	ssettm $0x1  }
0x91: {  	s18 =	sld [smem:$0x3FFB];
	_ =	sdelay $0x3  }
0x92: {  	_ =	strace s18  }
0x93: {  	s3 =	sld [smem:$0x3FFC];
	_ =	sdelay $0x3  }
0x94: {  	_ =	strace s3  }
0x95: {  	s3 =	sld [smem:$0x3FFD];
	_ =	sdelay $0x3  }
0x96: {  	_ =	strace s3  }
0x97: {  	_ =	strace $0x8FFFFFFF  }
0x98: {  	s19 =	sld [smem:$0x3FDB];
	_ =	sdelay $0x1  }
0x99: {  	s4 =	simm.s32 $_scs_section_size  }
0x9a: {  	s5 =	simm.s32 $_size__tile_overlayer_lowered;
	s6 =	simm.s32 $_tile_overlayer_lowered  }
0x9b: {  	s22 =	simm.s32 $0x1BFF;
	s21 =	sshll.u32 s6, $0x1;
	s3 =	sadd.s32 s4, s19  }
0x9c: {  	s7 =	simm.s32 $0x0;
	s20 =	sshll.u32 s5, $0x1;
	s5 =	sadd.s32 s21, s3  }
0x9d: {  	[timem:s7], [sflag:s22] =	dma.local [hbm:s5], s20  }
0x9e: {  	_ =	swait.ge [sflag:s22], s20  }
0x9f: {  	s4 =	ssub.s32 $0x0, s20;
	[sflag:s22] =	ssyncset.done $0x0  }
0xa0: {  	[sflag:s22] =	ssyncadd.s32 s4;
	_ =	sdelay $0x1  }
0xa1: {  	s23 =	simm.s32 $0x1B8B  }
0xa2: {  	_ =	swait.ge [sflag:s23], $0x1  }
0xa3: {  	[sflag:s23] =	ssyncset.done $0x0  }
0xa4: {  	s25 =	simm.s32 $0x1B8E;
	s24 =	sld [smem:$0x3FFE];
	[sflag:s23] =	ssyncadd.s32 $0xFFFFFFFF  }
0xa5: {  	s26 =	simm.s32 $execute0_lowered;
	[smem:$0x3FD2] =	sst s25  }
0xa6: {  	s5 =	sshll.u32 s26, $0x1;
	_ =	strace $0x80000046;
	[dreg:$0x1] =	wrdreg $0xFFFFFFFF  }
0xa7: {  	s28 =	simm.s32 $_size_execute0_lowered;
	s3 =	sadd.s32 s3, s5;
	[dreg:$0x0] =	wrdreg $0x0  }
0xa8: {  	s5 =	sshll.u32 s28, $0x1;
	[dreg:$0x2] =	wrdreg s3  }
0xa9: {  	[dreg:$0x3] =	wrdreg s5  }
0xaa: {  	[dreg:$0x4] =	wrdreg $0xC0  }
0xab: {  	_ =	task [dreg:s7], $0x5FFFF  }
0xac: {  	[dreg:$0x1] =	wrdreg $0xFFFFFFFF  }
0xad: {  	[dreg:$0x0] =	wrdreg $0x60  }
0xae: {  	[dreg:$0x2] =	wrdreg s24  }
0xaf: {  	[dreg:$0x3] =	wrdreg s2  }
0xb0: {  	[dreg:$0x4] =	wrdreg $0x9  }
0xb1: {  	_ =	task.clear_ibuf [dreg:s7], $0x5FFFF;
	_ =	strace $0x90000046  }
0xb2: {  	s29 =	simm.s32 $0x9;
	_ =	strace $0x80000048  }
0xb3: {  	_ =	swait.ge [sflag:s29], $0x1  }
0xb4: {  	[sflag:s29] =	ssyncadd.s32 $0xFFFFFFFF  }
0xb5: {  	_ =	strace $0x90000048  }
0xb6: {  	_ =	sfence  }
0xb7: {  	s30 =	sld [smem:$0x0];
	_ =	sdelay $0x2  }
0xb8: {  	s31 =	sshll.u32 s1, $0xD;
	s1 =	sshrl.u32 s1, $0x2  }
0xb9: {  	s3 =	sand.u32 $0x4000, s31;
	s1 =	sadd.s32 s1, s30  }
0xba: {  	s0 =	sor.u32 s3, s0;
	s1 =	sshll.u32 s1, $0x11  }
0xbb: {  	s0 =	sor.u32 s1, s0  }
0xbc: {  	s0 =	sadd.s32 $0x8F2B, s0  }
0xbd: {  	[sflag:s0] =	ssyncadd.remote.s32 $0x1  }
0xbe: {  	_ =	sfence.sel $0xFFFF  }
0xbf: {  	[dreg:$0x0] =	wrdreg $0xFFFFFFFF;
	(pc) =	sbr.abs _section_cstart, $3  }
0xc0: {  	[dreg:$0x1] =	wrdreg $0xFFFFFFFF  }
0xc1: {  	_ =	task.clear_ibuf [dreg:s7], $0x2FFFF;
	_ =	strace $0x9FFFFFFF  }
0xc2: {  	(tm) =	ssettm $0x7FFFFFFF  }
0xc3: {  	_ =	shalt  }
tec
execute0_lowered:
.L_overlay_start_1:
0x0: {  	(tag) =	ssettag $0x1  }
0x1: {  	s0 =	srdreg.scid  }
0x2: {  	s10 =	stileid.u32;
	s1 =	rddreg [dreg:$0x0]  }
0x3: {  	s4 =	rddreg [dreg:$0x1];
	s17 =	simm.s32 $0x8;
	s18 =	simm.s32 $0x1C00  }
0x4: {  	s19 =	simm.s32 $0x5C00;
	s20 =	simm.s32 $0x9C00;
	s21 =	simm.s32 $0xDC00  }
0x5: {  	s28 =	simm.s32 $0x3;
	s29 =	simm.s32 $0x4;
	s30 =	simm.s32 $0x5  }
0x6: {  	s0 =	sand.u32 $0x1, s0;
	s2 =	sshll.u32 s10, $0x1;
	s23 =	smul.u32 $0x64, s10  }
0x7: {  	s3 =	sor.u32 s0, s2;
	s6 =	ssub.s32 $0x2, s0;
	s0 =	smul.u32 $0x32, s0  }
0x8: {  	s31 =	simm.s32 $0x6;
	s2 =	simm.s32 $0x0;
	s5 =	smul.u32 $0x380, s3  }
0x9: {  	[smem:$0x7FF] =	sst s2;
	s7 =	smul.u32 $0x19000, s3;
	s8 =	sshrl.u32 s6, $0x1  }
0xa: {  	s9 =	smul.u32 $0xC8000, s3;
	_ =	strace $0x80000047;
	s22 =	ssub.s32 s6, s8  }
0xb: {  	s0 =	sadd.s32 s0, s23;
	s23 =	simm.s32 $0x15C00;
	s1 =	sadd.s32 s5, s1  }
0xc: {  	s3 =	sadd.s32 s4, s7;
	s24 =	sshrl.u32 s9, $0x3;
	s0 =	sshll.u32 s0, $0xB  }
0xd: {  	s12 =	smax.u32 s22, $0x1;
	s22 =	simm.s32 $0x11C00;
	s1 =	sadd.s32 $0x400, s1  }
0xe: {  	s25 =	sadd.s32 $0x800, s3;
	s26 =	sadd.s32 s4, s24;
	[dreg:$0x3] =	wrdreg s1  }
0xf: {  	s0 =	sadd.s32 s0, s4;
	s24 =	simm.s32 $0x19C00;
	[dreg:$0x4] =	wrdreg s25  }
0x10: {  	s6 =	sadd.s32 $0x1000, s26;
	s7 =	sadd.s32 $0x1800, s26;
	s8 =	sadd.s32 $0x2000, s26  }
0x11: {  	s9 =	sadd.s32 $0x2800, s26;
	s10 =	sadd.s32 $0x3000, s26;
	s11 =	sadd.s32 $0x18800, s26  }
0x12: {  	s13 =	sadd.s32 $0x6000, s0;
	s14 =	sadd.s32 $0x5000, s0;
	s15 =	sadd.s32 $0x4000, s0  }
0x13: {  	s16 =	sadd.s32 $0x3800, s0;
	s25 =	simm.s32 $0x1;
	s26 =	simm.s32 $0x2  }
0x14: {  	s1 =	simm.s32 $0x7;
	s0 =	simm.s32 $0x0;
	[dreg:$0x5] =	wrdreg s6  }
.LBB2_1:
0x15: {  	s4 =	rddreg [dreg:$0x3]  }
0x16: {  	[tilespmem:s2], [sflag:$0x8] =	stream.linear.gather [hbm4b:s4+s2], $0x1900, $0x38;
	[tilespmem:$0x1DC00] =	vst v63  }
0x17: {  	_ =	swait.ge [sflag:s17], $0x1900  }
0x18: {  	[sflag:s17] =	ssyncset.done $0x0  }
0x19: {  	[sflag:s17] =	ssyncadd.s32 $0xFFFFE700  }
0x1a: {  	[hbm4b:s3+s2] =	stream.linear.scatter [tilespmem:s18], [sflag:$0x1], $0x4000, $0x38;
	[tilespmem:$0x1DC00] =	vst v63  }
0x1b: {  	s6 =	rddreg [dreg:$0x4]  }
0x1c: {  	[hbm4b:s6+s2] =	stream.linear.scatter [tilespmem:s19], [sflag:$0x2], $0x4000, $0x38;
	[tilespmem:$0x1DC00] =	vst v63  }
0x1d: {  	s5 =	rddreg [dreg:$0x5]  }
0x1e: {  	[hbm4b:s5+s2] =	stream.linear.scatter [tilespmem:s20], [sflag:$0x3], $0x4000, $0x38;
	[tilespmem:$0x1DC00] =	vst v63  }
0x1f: {  	_ = 	snop  }
0x20: {  	[hbm4b:s7+s2] =	stream.linear.scatter [tilespmem:s21], [sflag:$0x4], $0x4000, $0x38;
	[tilespmem:$0x1DC00] =	vst v63  }
0x21: {  	_ = 	snop  }
0x22: {  	[hbm4b:s8+s2] =	stream.linear.scatter [tilespmem:s22], [sflag:$0x5], $0x4000, $0x38;
	[tilespmem:$0x1DC00] =	vst v63  }
0x23: {  	_ = 	snop  }
0x24: {  	[hbm4b:s9+s2] =	stream.linear.scatter [tilespmem:s23], [sflag:$0x6], $0x4000, $0x38;
	[tilespmem:$0x1DC00] =	vst v63  }
0x25: {  	_ = 	snop  }
0x26: {  	[hbm4b:s10+s2] =	stream.linear.scatter [tilespmem:s24], [sflag:$0x7], $0x4000, $0x38;
	[tilespmem:$0x1DC00] =	vst v63  }
0x27: {  	_ =	swait.ge [sflag:s25], $0x4000  }
0x28: {  	[sflag:s25] =	ssyncset.done $0x0  }
0x29: {  	s6 =	sadd.s32 $0x0, s16;
	[sflag:s25] =	ssyncadd.s32 $0xFFFFC000  }
0x2a: {  	[hbm4b:s6+s2] =	stream.linear.scatter [tilespmem:s18], [sflag:$0x1], $0x4000, $0x38;
	[tilespmem:$0x1DC00] =	vst v63  }
0x2b: {  	_ =	swait.ge [sflag:s26], $0x4000  }
0x2c: {  	[sflag:s26] =	ssyncset.done $0x0  }
0x2d: {  	s5 =	sadd.s32 $0x0, s15;
	[sflag:s26] =	ssyncadd.s32 $0xFFFFC000  }
0x2e: {  	[hbm4b:s5+s2] =	stream.linear.scatter [tilespmem:s19], [sflag:$0x2], $0x4000, $0x38;
	[tilespmem:$0x1DC00] =	vst v63  }
0x2f: {  	_ =	swait.ge [sflag:s28], $0x4000  }
0x30: {  	[sflag:s28] =	ssyncset.done $0x0  }
0x31: {  	s4 =	sadd.s32 $0x800, s5;
	[sflag:s28] =	ssyncadd.s32 $0xFFFFC000  }
0x32: {  	[hbm4b:s4+s2] =	stream.linear.scatter [tilespmem:s20], [sflag:$0x3], $0x4000, $0x38;
	[tilespmem:$0x1DC00] =	vst v63  }
0x33: {  	_ =	swait.ge [sflag:s29], $0x4000  }
0x34: {  	[sflag:s29] =	ssyncset.done $0x0  }
0x35: {  	s6 =	sadd.s32 $0x0, s14;
	[sflag:s29] =	ssyncadd.s32 $0xFFFFC000  }
0x36: {  	[hbm4b:s6+s2] =	stream.linear.scatter [tilespmem:s21], [sflag:$0x4], $0x4000, $0x38;
	[tilespmem:$0x1DC00] =	vst v63  }
0x37: {  	_ =	swait.ge [sflag:s30], $0x4000  }
0x38: {  	[sflag:s30] =	ssyncset.done $0x0  }
0x39: {  	s4 =	sadd.s32 $0x800, s6;
	[sflag:s30] =	ssyncadd.s32 $0xFFFFC000  }
0x3a: {  	[hbm4b:s4+s2] =	stream.linear.scatter [tilespmem:s22], [sflag:$0x5], $0x4000, $0x38;
	[tilespmem:$0x1DC00] =	vst v63  }
0x3b: {  	_ =	swait.ge [sflag:s31], $0x4000  }
0x3c: {  	[sflag:s31] =	ssyncset.done $0x0  }
0x3d: {  	s5 =	sadd.s32 $0x0, s13;
	[sflag:s31] =	ssyncadd.s32 $0xFFFFC000  }
0x3e: {  	[hbm4b:s5+s2] =	stream.linear.scatter [tilespmem:s23], [sflag:$0x6], $0x4000, $0x38;
	[tilespmem:$0x1DC00] =	vst v63  }
0x3f: {  	_ =	swait.ge [sflag:s1], $0x4000  }
0x40: {  	[sflag:s1] =	ssyncset.done $0x0  }
0x41: {  	s4 =	simm.s32 $0x3800;
	s5 =	sadd.s32 $0x800, s5;
	[sflag:s1] =	ssyncadd.s32 $0xFFFFC000  }
.LBB2_2:
0x42: {  	[hbm4b:s5+s2] =	stream.linear.scatter [tilespmem:s24], [sflag:$0x7], $0x4000, $0x38;
	[tilespmem:$0x1DC00] =	vst v63  }
0x43: {  	s5 =	smov.u32 s4  }
0x44: {  	p0 =	sne.s32 s4, $0x11800;
	s4 =	sadd.s32 $0x3800, s4;
	_ =	swait.ge [sflag:s25], $0x4000  }
0x45: {  	[sflag:s25] =	ssyncset.done $0x0  }
0x46: {  	s6 =	sadd.s32 s5, s16;
	[sflag:s25] =	ssyncadd.s32 $0xFFFFC000  }
0x47: {  	[hbm4b:s6+s2] =	stream.linear.scatter [tilespmem:s18], [sflag:$0x1], $0x4000, $0x38;
	[tilespmem:$0x1DC00] =	vst v63  }
0x48: {  	_ =	swait.ge [sflag:s26], $0x4000  }
0x49: {  	[sflag:s26] =	ssyncset.done $0x0  }
0x4a: {  	s6 =	sadd.s32 s5, s15;
	[sflag:s26] =	ssyncadd.s32 $0xFFFFC000  }
0x4b: {  	[hbm4b:s6+s2] =	stream.linear.scatter [tilespmem:s19], [sflag:$0x2], $0x4000, $0x38;
	[tilespmem:$0x1DC00] =	vst v63  }
0x4c: {  	_ =	swait.ge [sflag:s28], $0x4000  }
0x4d: {  	[sflag:s28] =	ssyncset.done $0x0  }
0x4e: {  	s6 =	sadd.s32 $0x800, s6;
	[sflag:s28] =	ssyncadd.s32 $0xFFFFC000  }
0x4f: {  	[hbm4b:s6+s2] =	stream.linear.scatter [tilespmem:s20], [sflag:$0x3], $0x4000, $0x38;
	[tilespmem:$0x1DC00] =	vst v63  }
0x50: {  	_ =	swait.ge [sflag:s29], $0x4000  }
0x51: {  	[sflag:s29] =	ssyncset.done $0x0  }
0x52: {  	s6 =	sadd.s32 s5, s14;
	[sflag:s29] =	ssyncadd.s32 $0xFFFFC000  }
0x53: {  	[hbm4b:s6+s2] =	stream.linear.scatter [tilespmem:s21], [sflag:$0x4], $0x4000, $0x38;
	[tilespmem:$0x1DC00] =	vst v63  }
0x54: {  	_ =	swait.ge [sflag:s30], $0x4000  }
0x55: {  	[sflag:s30] =	ssyncset.done $0x0  }
0x56: {  	s6 =	sadd.s32 $0x800, s6;
	[sflag:s30] =	ssyncadd.s32 $0xFFFFC000  }
0x57: {  	[hbm4b:s6+s2] =	stream.linear.scatter [tilespmem:s22], [sflag:$0x5], $0x4000, $0x38;
	[tilespmem:$0x1DC00] =	vst v63  }
0x58: {  	_ =	swait.ge [sflag:s31], $0x4000  }
0x59: {  	[sflag:s31] =	ssyncset.done $0x0  }
.Ltmp0:
0x5a: {  	s5 =	sadd.s32 s5, s13;
	[sflag:s31] =	ssyncadd.s32 $0xFFFFC000;
	(pc) =	sbr.rel @p0 .LBB2_2-.Ltmp0, $4  }
0x5b: {  	[hbm4b:s5+s2] =	stream.linear.scatter [tilespmem:s23], [sflag:$0x6], $0x4000, $0x38;
	[tilespmem:$0x1DC00] =	vst v63  }
0x5c: {  	_ =	swait.ge [sflag:s1], $0x4000  }
0x5d: {  	[sflag:s1] =	ssyncset.done $0x0  }
0x5e: {  	s5 =	sadd.s32 $0x800, s5;
	[sflag:s1] =	ssyncadd.s32 $0xFFFFC000  }
0x5f: {  	[hbm4b:s5+s2] =	stream.linear.scatter [tilespmem:s24], [sflag:$0x7], $0x4000, $0x38;
	[tilespmem:$0x1DC00] =	vst v63  }
0x60: {  	_ =	swait.ge [sflag:s25], $0x4000  }
0x61: {  	[sflag:s25] =	ssyncset.done $0x0  }
0x62: {  	[sflag:s25] =	ssyncadd.s32 $0xFFFFC000  }
0x63: {  	_ =	swait.ge [sflag:s26], $0x4000  }
0x64: {  	[sflag:s26] =	ssyncset.done $0x0  }
0x65: {  	[sflag:s26] =	ssyncadd.s32 $0xFFFFC000  }
0x66: {  	_ =	swait.ge [sflag:s28], $0x4000  }
0x67: {  	[sflag:s28] =	ssyncset.done $0x0  }
0x68: {  	[sflag:s28] =	ssyncadd.s32 $0xFFFFC000  }
0x69: {  	_ =	swait.ge [sflag:s29], $0x4000  }
0x6a: {  	[sflag:s29] =	ssyncset.done $0x0  }
0x6b: {  	[sflag:s29] =	ssyncadd.s32 $0xFFFFC000  }
0x6c: {  	_ =	swait.ge [sflag:s30], $0x4000  }
0x6d: {  	[sflag:s30] =	ssyncset.done $0x0  }
0x6e: {  	[sflag:s30] =	ssyncadd.s32 $0xFFFFC000  }
0x6f: {  	_ =	swait.ge [sflag:s31], $0x4000  }
0x70: {  	[sflag:s31] =	ssyncset.done $0x0  }
0x71: {  	[sflag:s31] =	ssyncadd.s32 $0xFFFFC000  }
0x72: {  	s0 =	sadd.s32 $0x1, s0;
	_ =	swait.ge [sflag:s1], $0x4000  }
0x73: {  	p0 =	sne.s32 s0, s12;
	[sflag:s1] =	ssyncset.done $0x0  }
.Ltmp1:
0x74: {  	[sflag:s1] =	ssyncadd.s32 $0xFFFFC000;
	(pc) =	sbr.rel @p0 .LBB2_1-.Ltmp1, $4  }
0x75: {  	[hbm4b:s11+s2] =	stream.linear.scatter [tilespmem:s18], [sflag:$0x1], $0x4000, $0x38;
	[tilespmem:$0x1DC00] =	vst v63  }
0x76: {  	_ =	swait.ge [sflag:s25], $0x4000  }
0x77: {  	[sflag:s25] =	ssyncset.done $0x0  }
0x78: {  	[sflag:s25] =	ssyncadd.s32 $0xFFFFC000  }
0x79: {  	_ =	sfence.sel $0x180000  }
0x7a: {  	[bflag:$0x0] =	sbarrier.arrive $0xFFFF  }
0x7b: {  	_ =	strace $0x90000047  }
0x7c: {  	s0 =	stileid.u32;
	[bflag:$0x2] =	sbarrier.arrive $0xFFFF  }
0x7d: {  	p0 =	sne.s32 s0, $0x0;
	s0 =	rddreg [dreg:$0x2]  }
0x7e: {  	s0 =	sadd.s32 @!p0 $0x100000, s0  }
0x7f: {  	[sflag:s0] =	ssyncadd.tile.s32 @!p0 $0x1;
	_ =	shalt  }
.Lfunc_end2:
_tile_overlayer_lowered:
.L_overlay_start_2:
0x80: {  	(tag) =	ssettag $0x2  }
0x81: {  	s0 =	rddreg [dreg:$0x0];
	s2 =	stileid.u32  }
0x82: {  	s1 =	rddreg [dreg:$0x1];
	p0 =	sne.s32 s2, $0x0  }
0x83: {  	s3 =	rddreg [dreg:$0x2];
	[bflag:$0x3] =	sbarrier.arrive $0xFFFF;
	s2 =	simm.s32 @!p0 $0x1C08  }
0x84: {  	[timem:s3], [sflag:s2] =	dma.local @!p0 [hbm:s0], s1  }
0x85: {  	s0 =	simm.s32 @!p0 $0x8  }
0x86: {  	_ =	swait.ge @!p0 [sflag:s0], s1  }
0x87: {  	s1 =	ssub.s32 @!p0 $0x0, s1;
	[sflag:s0] =	ssyncset.done @!p0 $0x0  }
0x88: {  	[sflag:s0] =	ssyncadd.s32 @!p0 s1  }
0x89: {  	[bflag:$0x3] =	sbarrier.arrive $0xFFFF  }
0x8a: {  	_ =	shalt  }

</sc_bundles>
